<compile_context>
chip_gen: v7x
topology: tpu7x:2x2x1
jax: 0.10.2.dev20260603
libtpu: 0.0.44.dev20260713+nightly
codegen_flags: <defaults>
</compile_context>

<pallas_src>
import functools

import numpy as np
import jax
import jax.numpy as jnp
from jax import lax
from jax.experimental import pallas as pl
from jax.experimental.pallas import tpu as pltpu
from jax.experimental.pallas import tpu_sc as plsc

LATENT = 64
DRAWS = 100
BATCH = 16384
BLK = 256

_KS0 = np.uint32(0)
_KS1 = np.uint32(42)
_KS2 = np.uint32(0x1BD11BDA ^ 42)
_TINY = np.float32(np.finfo(np.float32).tiny)
_ROTS = ((13, 15, 26, 6), (17, 29, 16, 24))


def _rotl(x, r):
    return jnp.left_shift(x, np.uint32(r)) | jnp.right_shift(x, np.uint32(32 - r))


def _threefry_bits(n):
    ks = (_KS0, _KS1, _KS2)
    x0 = n + _KS1
    x1 = _rotl(x0, _ROTS[0][0]) ^ x0
    first = True
    for i in range(5):
        for r in _ROTS[i % 2]:
            if first:
                first = False
                continue
            x0 = x0 + x1
            x1 = _rotl(x1, r)
            x1 = x1 ^ x0
        x0 = x0 + ks[(i + 1) % 3]
        x1 = x1 + ks[(i + 2) % 3] + np.uint32(i + 1)
    return x0 ^ x1


def _uniform(bits):
    fb = jnp.right_shift(bits, np.uint32(9)) | np.uint32(0x3F800000)
    f = lax.bitcast_convert_type(fb, jnp.float32) - np.float32(1.0)
    return jnp.maximum(f, _TINY)


def _sample_body(batch, blk, embs_ref, par_ref, out_ref):
    a = embs_ref[...]
    par = par_ref[...] != 0
    lt = jnp.where(par, a[LATENT:, :], a[:LATENT, :])
    m = jnp.max(lt, axis=0, keepdims=True)
    t = jnp.exp(lt - m)
    s = jnp.sum(t, axis=0, keepdims=True)
    probs = t / s
    nrinv = np.float32(-1.0) / t

    col = lax.broadcasted_iota(jnp.int32, (LATENT, blk), 1) + pl.program_id(0) * blk
    row = lax.broadcasted_iota(jnp.int32, (LATENT, blk), 0)
    base = (col * LATENT + row).astype(jnp.uint32)
    jio = row
    stride = np.int32(batch * LATENT)

    def one_draw(n, counts):
        v = jnp.log(_uniform(_threefry_bits(n))) * nrinv
        key = (lax.bitcast_convert_type(v, jnp.int32) & np.int32(~63)) | jio
        kmin = jnp.min(key, axis=0, keepdims=True)
        return counts + (key == kmin).astype(jnp.float32)

    def body(k, counts):
        n = base + ((2 * k) * stride).astype(jnp.uint32)
        counts = one_draw(n, counts)
        return one_draw(n + stride.astype(jnp.uint32), counts)

    counts = lax.fori_loop(0, DRAWS // 2, body, jnp.zeros((LATENT, blk), jnp.float32))
    out_ref[...] = counts * probs * np.float32(1.0 / DRAWS)


def _make_sampler(batch, blk, interpret=False):
    return pl.pallas_call(
        functools.partial(_sample_body, batch, blk),
        grid=(batch // blk,),
        in_specs=[
            pl.BlockSpec((2 * LATENT, blk), lambda i: (0, i)),
            pl.BlockSpec((1, blk), lambda i: (0, i)),
        ],
        out_specs=pl.BlockSpec((LATENT, blk), lambda i: (0, i)),
        out_shape=jax.ShapeDtypeStruct((LATENT, batch), jnp.float32),
        compiler_params=pltpu.CompilerParams(
            dimension_semantics=("parallel",)
        ),
        interpret=interpret,
    )


_NW = 32
_BPW = BATCH // _NW


def _gather_body(table_hbm, idx_hbm, out_hbm, idx_v, rows_v, sem):
    wid = lax.axis_index("s") * 2 + lax.axis_index("c")
    base = wid * _BPW
    pltpu.sync_copy(idx_hbm.at[pl.ds(base, _BPW)], idx_v)
    pltpu.async_copy(table_hbm.at[idx_v], rows_v, sem).wait()
    pltpu.sync_copy(rows_v, out_hbm.at[pl.ds(base, _BPW)])


def _sc_gather(wide_table, idx):
    mesh = plsc.VectorSubcoreMesh(core_axis_name="c", subcore_axis_name="s")
    return pl.kernel(
        _gather_body,
        mesh=mesh,
        out_type=jax.ShapeDtypeStruct((BATCH, 2 * LATENT), jnp.float32),
        scratch_types=[
            pltpu.VMEM((_BPW,), jnp.int32),
            pltpu.VMEM((_BPW, 2 * LATENT), jnp.float32),
            pltpu.SemaphoreType.DMA,
        ],
    )(wide_table, idx)


def kernel(labels, table):
    idx = labels.astype(jnp.int32)
    wide = table.reshape(table.shape[0] // 2, 2 * LATENT)
    embs2 = _sc_gather(wide, idx >> 1)
    par = (idx & 1).reshape(1, BATCH)
    out = _make_sampler(BATCH, BLK)(embs2.T, par)
    return out.T

# --- scband reference (transcript-rebuilt; emitter-appended) ---
"""Pipeline reference for scband-multinomial-generator-19954418057275 (READ-ONLY COPY).

The authoritative reference and input builder live on the scoring server;
editing this copy changes nothing except your own understanding.
"""

import jax, jax.numpy as jnp
import numpy as np

N_CLASSES = 1000000
LATENT_DIM = 64
COUNT = 100
BATCH = 16384


def setup_inputs(seed: int = 0) -> dict:
    key = jax.random.key(seed)
    k1, k2 = jax.random.split(key)
    labels = jax.random.randint(k1, (BATCH,), 0, N_CLASSES).astype(jnp.int64)
    # learned parameter: embedding table (nn.Embedding(n_classes, latent_dim))
    table = jax.random.normal(k2, (N_CLASSES, LATENT_DIM), dtype=jnp.float32)
    return {"labels": labels, "table": table}


def reference(labels, table):
    # embs = self.labels_probs(labels)
    embs = jnp.take(table, labels, axis=0)  # [B, latent_dim]
    # probs = Softmax(dim=-1)(embs)
    probs = jax.nn.softmax(embs, axis=-1)
    # z = Multinomial(count, probs).sample()  (non-differentiable draw, counts sum to COUNT)
    skey = jax.random.key(42)
    samples = jax.random.categorical(skey, embs, axis=-1, shape=(COUNT, embs.shape[0]))  # [COUNT, B]
    rows = jnp.broadcast_to(jnp.arange(embs.shape[0])[None, :], samples.shape)  # [COUNT, B]
    z = jnp.zeros_like(probs).at[rows.ravel(), samples.ravel()].add(1.0)  # scatter-add -> multinomial counts
    z = jax.lax.stop_gradient(z)
    # return z * probs / count
    return z * probs / COUNT

if __name__ == "__main__":
    import jax
    _d = setup_inputs()
    print(jax.jit(kernel)(*tuple(_d.values())))

</pallas_src>

<mosaic_0001>
#map = affine_map<(d0, d1) -> (0, 0)>
#map1 = affine_map<(d0, d1) -> (0)>
module attributes {stable_mosaic.version = 14 : i64} {
  func.func @_gather_body(%arg0: i32, %arg1: i32, %arg2: memref<500000x128xf32, #tpu.memory_space<hbm>>, %arg3: memref<16384xi32, #tpu.memory_space<hbm>>, %arg4: memref<16384x128xf32, #tpu.memory_space<hbm>>, %arg5: memref<512xi32, #tpu.memory_space<vmem>>, %arg6: memref<512x128xf32, #tpu.memory_space<vmem>>, %arg7: memref<!tpu.dma_semaphore, #tpu.memory_space<semaphore_mem>>) attributes {dimension_semantics = [#tpu.dimension_semantics<core_parallel>, #tpu.dimension_semantics<subcore_parallel>], iteration_bounds = array<i64: 2, 16>, scalar_prefetch = 0 : i64, scratch_operands = 3 : i64, tpu.core_type = #tpu.core_type<sc_vector_subcore>, window_params = [{transform_indices = #map}, {transform_indices = #map1}, {transform_indices = #map}]} {
    %mul3A = arith.constant 2 : i32
    %mul3A_0 = arith.muli %arg1, %mul3A : i32
    %add3A = arith.addi %mul3A_0, %arg0 : i32
    %mul3A_1 = arith.constant 512 : i32
    %mul3A_2 = arith.muli %add3A, %mul3A_1 : i32
    "tpu.region"() ({
      %run_scoped3A = tpu.sem_alloc : memref<!tpu.dma_semaphore, #tpu.memory_space<semaphore_mem>>
      %dma_start3A_7 = tpu.memref_slice %arg3[%mul3A_2] : memref<16384xi32, #tpu.memory_space<hbm>> -> memref<512xi32, #tpu.memory_space<hbm>>
      %dma_start3A_8 = tpu.memref_slice %arg3[%mul3A_2] : memref<16384xi32, #tpu.memory_space<hbm>> -> memref<512xi32, #tpu.memory_space<hbm>>
      tpu.enqueue_dma source(%dma_start3A_8 : memref<512xi32, #tpu.memory_space<hbm>>) target(%arg5 : memref<512xi32, #tpu.memory_space<vmem>>) target_semaphore(%run_scoped3A : memref<!tpu.dma_semaphore, #tpu.memory_space<semaphore_mem>>)
      %dma_wait3A_9 = tpu.memref_slice %arg3[%mul3A_2] : memref<16384xi32, #tpu.memory_space<hbm>> -> memref<512xi32, #tpu.memory_space<hbm>>
      %dma_wait3A_10 = tpu.memref_slice %arg3[%mul3A_2] : memref<16384xi32, #tpu.memory_space<hbm>> -> memref<512xi32, #tpu.memory_space<hbm>>
      tpu.wait_dma2 semaphore(%run_scoped3A : memref<!tpu.dma_semaphore, #tpu.memory_space<semaphore_mem>>) src(%dma_wait3A_10 : memref<512xi32, #tpu.memory_space<hbm>>) dst(%arg5 : memref<512xi32, #tpu.memory_space<vmem>>)
      tpu.yield
    }) : () -> ()
    %dma_start3A = arith.constant 0 : i32
    %dma_start3A_3 = arith.constant 0 : i32
    %dma_start3A_4 = tpu.memref_slice %arg2[%dma_start3A, %dma_start3A_3] : memref<500000x128xf32, #tpu.memory_space<hbm>> -> memref<500000x128xf32, #tpu.memory_space<hbm>>
    tpu.enqueue_indirect_dma source(%dma_start3A_4 : memref<500000x128xf32, #tpu.memory_space<hbm>>) target(%arg6 : memref<512x128xf32, #tpu.memory_space<vmem>>) offsets(%arg5 : memref<512xi32, #tpu.memory_space<vmem>>) semaphore(%arg7 : memref<!tpu.dma_semaphore, #tpu.memory_space<semaphore_mem>>)
    %dma_wait3A = arith.constant 0 : i32
    %dma_wait3A_5 = arith.constant 0 : i32
    %dma_wait3A_6 = tpu.memref_slice %arg2[%dma_wait3A, %dma_wait3A_5] : memref<500000x128xf32, #tpu.memory_space<hbm>> -> memref<500000x128xf32, #tpu.memory_space<hbm>>
    tpu.wait_indirect_dma semaphore(%arg7 : memref<!tpu.dma_semaphore, #tpu.memory_space<semaphore_mem>>) src(%dma_wait3A_6 : memref<500000x128xf32, #tpu.memory_space<hbm>>) dst(%arg6 : memref<512x128xf32, #tpu.memory_space<vmem>>)
    "tpu.region"() ({
      %run_scoped3A = tpu.sem_alloc : memref<!tpu.dma_semaphore, #tpu.memory_space<semaphore_mem>>
      %dma_start3A_7 = arith.constant 0 : i32
      %dma_start3A_8 = tpu.memref_slice %arg4[%mul3A_2, %dma_start3A_7] : memref<16384x128xf32, #tpu.memory_space<hbm>> -> memref<512x128xf32, #tpu.memory_space<hbm>>
      %dma_start3A_9 = arith.constant 0 : i32
      %dma_start3A_10 = tpu.memref_slice %arg4[%mul3A_2, %dma_start3A_9] : memref<16384x128xf32, #tpu.memory_space<hbm>> -> memref<512x128xf32, #tpu.memory_space<hbm>>
      tpu.enqueue_dma source(%arg6 : memref<512x128xf32, #tpu.memory_space<vmem>>) target(%dma_start3A_10 : memref<512x128xf32, #tpu.memory_space<hbm>>) target_semaphore(%run_scoped3A : memref<!tpu.dma_semaphore, #tpu.memory_space<semaphore_mem>>)
      %dma_wait3A_11 = arith.constant 0 : i32
      %dma_wait3A_12 = tpu.memref_slice %arg4[%mul3A_2, %dma_wait3A_11] : memref<16384x128xf32, #tpu.memory_space<hbm>> -> memref<512x128xf32, #tpu.memory_space<hbm>>
      %dma_wait3A_13 = arith.constant 0 : i32
      %dma_wait3A_14 = tpu.memref_slice %arg4[%mul3A_2, %dma_wait3A_13] : memref<16384x128xf32, #tpu.memory_space<hbm>> -> memref<512x128xf32, #tpu.memory_space<hbm>>
      tpu.wait_dma2 semaphore(%run_scoped3A : memref<!tpu.dma_semaphore, #tpu.memory_space<semaphore_mem>>) src(%arg6 : memref<512x128xf32, #tpu.memory_space<vmem>>) dst(%dma_wait3A_14 : memref<512x128xf32, #tpu.memory_space<hbm>>)
      tpu.yield
    }) : () -> ()
    return
  }
}

module attributes {stable_mosaic.version = 14 : i64} {
  func.func @_sample_body(%arg0: i32, %arg1: memref<128x256xf32, #tpu.memory_space<vmem>>, %arg2: memref<1x256xi32, #tpu.memory_space<vmem>>, %arg3: memref<64x256xf32, #tpu.memory_space<vmem>>) attributes {dimension_semantics = [#tpu.dimension_semantics<parallel>], iteration_bounds = array<i64: 64>, scalar_prefetch = 0 : i64, scratch_operands = 0 : i64, tpu.core_type = #tpu.core_type<tc>, window_params = [{transform_indices = @transform_0, window_bounds = array<i64: 128, 256>}, {transform_indices = @transform_1, window_bounds = array<i64: 1, 256>}, {transform_indices = @transform_2, window_bounds = array<i64: 64, 256>}]} {
    %get3A = arith.constant 0 : index
    %get3A_0 = arith.constant 0 : index
    %get3A_1 = vector.load %arg1[%get3A, %get3A_0] : memref<128x256xf32, #tpu.memory_space<vmem>>, vector<128x256xf32>
    %get3A_2 = arith.constant 0 : index
    %get3A_3 = arith.constant 0 : index
    %get3A_4 = vector.load %arg2[%get3A_2, %get3A_3] : memref<1x256xi32, #tpu.memory_space<vmem>>, vector<1x256xi32>
    %ne3A = arith.constant 0 : i32
    %ne3A_5 = vector.broadcast %ne3A : i32 to vector<1x256xi32>
    %ne3A_6 = arith.cmpi ne, %get3A_4, %ne3A_5 : vector<1x256xi32>
    %slice3A = vector.extract_strided_slice %get3A_1 {offsets = [64, 0], sizes = [64, 256], strides = [1, 1]} : vector<128x256xf32> to vector<64x256xf32>
    %slice3A_7 = vector.extract_strided_slice %get3A_1 {offsets = [0, 0], sizes = [64, 256], strides = [1, 1]} : vector<128x256xf32> to vector<64x256xf32>
    %broadcast_in_dim3A = vector.shape_cast %ne3A_6 : vector<1x256xi1> to vector<1x256xi1>
    %broadcast_in_dim3A_8 = vector.broadcast %broadcast_in_dim3A : vector<1x256xi1> to vector<64x256xi1>
    %select_n3A = arith.select %broadcast_in_dim3A_8, %slice3A, %slice3A_7 : vector<64x256xi1>, vector<64x256xf32>
    %reduce_max3A = arith.constant dense<0xFF800000> : vector<256xf32>
    %reduce_max3A_9 = vector.multi_reduction <maximumf>, %select_n3A, %reduce_max3A [0] : vector<64x256xf32> to vector<256xf32>
    %broadcast_in_dim3A_10 = vector.shape_cast %reduce_max3A_9 : vector<256xf32> to vector<1x256xf32>
    %sub3A = vector.broadcast %broadcast_in_dim3A_10 : vector<1x256xf32> to vector<64x256xf32>
    %sub3A_11 = arith.subf %select_n3A, %sub3A : vector<64x256xf32>
    %exp3A = math.exp %sub3A_11 : vector<64x256xf32>
    %reduce_sum3A = arith.constant dense<0.000000e+00> : vector<256xf32>
    %reduce_sum3A_12 = vector.multi_reduction <add>, %exp3A, %reduce_sum3A [0] : vector<64x256xf32> to vector<256xf32>
    %broadcast_in_dim3A_13 = vector.shape_cast %reduce_sum3A_12 : vector<256xf32> to vector<1x256xf32>
    %div3A = vector.broadcast %broadcast_in_dim3A_13 : vector<1x256xf32> to vector<64x256xf32>
    %div3A_14 = arith.divf %exp3A, %div3A : vector<64x256xf32>
    %div3A_15 = arith.constant -1.000000e+00 : f32
    %div3A_16 = vector.broadcast %div3A_15 : f32 to vector<64x256xf32>
    %div3A_17 = arith.divf %div3A_16, %exp3A : vector<64x256xf32>
    %iota3A = tpu.iota {dimensions = array<i32: 1>} : vector<64x256xi32>
    %mul3A = arith.constant 256 : i32
    %mul3A_18 = arith.muli %arg0, %mul3A : i32
    %add3A = vector.broadcast %mul3A_18 : i32 to vector<64x256xi32>
    %add3A_19 = arith.addi %iota3A, %add3A : vector<64x256xi32>
    %iota3A_20 = tpu.iota {dimensions = array<i32: 0>} : vector<64x256xi32>
    %mul3A_21 = arith.constant 64 : i32
    %mul3A_22 = vector.broadcast %mul3A_21 : i32 to vector<64x256xi32>
    %mul3A_23 = arith.muli %add3A_19, %mul3A_22 : vector<64x256xi32>
    %add3A_24 = arith.addi %mul3A_23, %iota3A_20 : vector<64x256xi32>
    %broadcast_in_dim3A_25 = arith.constant 0.000000e+00 : f32
    %broadcast_in_dim3A_26 = vector.broadcast %broadcast_in_dim3A_25 : f32 to vector<64x256xf32>
    %scan3A = arith.constant 0 : i32
    %scan3A_27 = arith.constant 50 : i32
    %scan3A_28 = arith.addi %scan3A, %scan3A_27 : i32
    %scan3A_29 = arith.constant 1 : i32
    %scan3A_30 = scf.for %scan3A_38 = %scan3A to %scan3A_28 step %scan3A_29 iter_args(%scan3A_39 = %broadcast_in_dim3A_26) -> (vector<64x256xf32>)  : i32 {
      %mul3A_40 = arith.constant 2 : i32
      %mul3A_41 = arith.muli %mul3A_40, %scan3A_38 : i32
      %mul3A_42 = arith.constant 1048576 : i32
      %mul3A_43 = arith.muli %mul3A_41, %mul3A_42 : i32
      %add3A_44 = vector.broadcast %mul3A_43 : i32 to vector<64x256xi32>
      %add3A_45 = arith.addi %add3A_24, %add3A_44 : vector<64x256xi32>
      %add3A_46 = arith.constant 42 : i32
      %add3A_47 = vector.broadcast %add3A_46 : i32 to vector<64x256xi32>
      %add3A_48 = arith.addi %add3A_45, %add3A_47 : vector<64x256xi32>
      %shift_left3A = arith.constant 13 : i32
      %shift_left3A_49 = vector.broadcast %shift_left3A : i32 to vector<64x256xi32>
      %shift_left3A_50 = arith.shli %add3A_48, %shift_left3A_49 : vector<64x256xi32>
      %shift_right_logical3A = arith.constant 19 : i32
      %shift_right_logical3A_51 = vector.broadcast %shift_right_logical3A : i32 to vector<64x256xi32>
      %shift_right_logical3A_52 = arith.shrui %add3A_48, %shift_right_logical3A_51 : vector<64x256xi32>
      %or3A = arith.ori %shift_left3A_50, %shift_right_logical3A_52 : vector<64x256xi32>
      %xor3A = arith.xori %or3A, %add3A_48 : vector<64x256xi32>
      %add3A_53 = arith.addi %add3A_48, %xor3A : vector<64x256xi32>
      %shift_left3A_54 = arith.constant 15 : i32
      %shift_left3A_55 = vector.broadcast %shift_left3A_54 : i32 to vector<64x256xi32>
      %shift_left3A_56 = arith.shli %xor3A, %shift_left3A_55 : vector<64x256xi32>
      %shift_right_logical3A_57 = arith.constant 17 : i32
      %shift_right_logical3A_58 = vector.broadcast %shift_right_logical3A_57 : i32 to vector<64x256xi32>
      %shift_right_logical3A_59 = arith.shrui %xor3A, %shift_right_logical3A_58 : vector<64x256xi32>
      %or3A_60 = arith.ori %shift_left3A_56, %shift_right_logical3A_59 : vector<64x256xi32>
      %xor3A_61 = arith.xori %or3A_60, %add3A_53 : vector<64x256xi32>
      %add3A_62 = arith.addi %add3A_53, %xor3A_61 : vector<64x256xi32>
      %shift_left3A_63 = arith.constant 26 : i32
      %shift_left3A_64 = vector.broadcast %shift_left3A_63 : i32 to vector<64x256xi32>
      %shift_left3A_65 = arith.shli %xor3A_61, %shift_left3A_64 : vector<64x256xi32>
      %shift_right_logical3A_66 = arith.constant 6 : i32
      %shift_right_logical3A_67 = vector.broadcast %shift_right_logical3A_66 : i32 to vector<64x256xi32>
      %shift_right_logical3A_68 = arith.shrui %xor3A_61, %shift_right_logical3A_67 : vector<64x256xi32>
      %or3A_69 = arith.ori %shift_left3A_65, %shift_right_logical3A_68 : vector<64x256xi32>
      %xor3A_70 = arith.xori %or3A_69, %add3A_62 : vector<64x256xi32>
      %add3A_71 = arith.addi %add3A_62, %xor3A_70 : vector<64x256xi32>
      %shift_left3A_72 = arith.constant 6 : i32
      %shift_left3A_73 = vector.broadcast %shift_left3A_72 : i32 to vector<64x256xi32>
      %shift_left3A_74 = arith.shli %xor3A_70, %shift_left3A_73 : vector<64x256xi32>
      %shift_right_logical3A_75 = arith.constant 26 : i32
      %shift_right_logical3A_76 = vector.broadcast %shift_right_logical3A_75 : i32 to vector<64x256xi32>
      %shift_right_logical3A_77 = arith.shrui %xor3A_70, %shift_right_logical3A_76 : vector<64x256xi32>
      %or3A_78 = arith.ori %shift_left3A_74, %shift_right_logical3A_77 : vector<64x256xi32>
      %xor3A_79 = arith.xori %or3A_78, %add3A_71 : vector<64x256xi32>
      %add3A_80 = arith.constant 42 : i32
      %add3A_81 = vector.broadcast %add3A_80 : i32 to vector<64x256xi32>
      %add3A_82 = arith.addi %add3A_71, %add3A_81 : vector<64x256xi32>
      %add3A_83 = arith.constant 466689008 : i32
      %add3A_84 = vector.broadcast %add3A_83 : i32 to vector<64x256xi32>
      %add3A_85 = arith.addi %xor3A_79, %add3A_84 : vector<64x256xi32>
      %add3A_86 = arith.constant 1 : i32
      %add3A_87 = vector.broadcast %add3A_86 : i32 to vector<64x256xi32>
      %add3A_88 = arith.addi %add3A_85, %add3A_87 : vector<64x256xi32>
      %add3A_89 = arith.addi %add3A_82, %add3A_88 : vector<64x256xi32>
      %shift_left3A_90 = arith.constant 17 : i32
      %shift_left3A_91 = vector.broadcast %shift_left3A_90 : i32 to vector<64x256xi32>
      %shift_left3A_92 = arith.shli %add3A_88, %shift_left3A_91 : vector<64x256xi32>
      %shift_right_logical3A_93 = arith.constant 15 : i32
      %shift_right_logical3A_94 = vector.broadcast %shift_right_logical3A_93 : i32 to vector<64x256xi32>
      %shift_right_logical3A_95 = arith.shrui %add3A_88, %shift_right_logical3A_94 : vector<64x256xi32>
      %or3A_96 = arith.ori %shift_left3A_92, %shift_right_logical3A_95 : vector<64x256xi32>
      %xor3A_97 = arith.xori %or3A_96, %add3A_89 : vector<64x256xi32>
      %add3A_98 = arith.addi %add3A_89, %xor3A_97 : vector<64x256xi32>
      %shift_left3A_99 = arith.constant 29 : i32
      %shift_left3A_100 = vector.broadcast %shift_left3A_99 : i32 to vector<64x256xi32>
      %shift_left3A_101 = arith.shli %xor3A_97, %shift_left3A_100 : vector<64x256xi32>
      %shift_right_logical3A_102 = arith.constant 3 : i32
      %shift_right_logical3A_103 = vector.broadcast %shift_right_logical3A_102 : i32 to vector<64x256xi32>
      %shift_right_logical3A_104 = arith.shrui %xor3A_97, %shift_right_logical3A_103 : vector<64x256xi32>
      %or3A_105 = arith.ori %shift_left3A_101, %shift_right_logical3A_104 : vector<64x256xi32>
      %xor3A_106 = arith.xori %or3A_105, %add3A_98 : vector<64x256xi32>
      %add3A_107 = arith.addi %add3A_98, %xor3A_106 : vector<64x256xi32>
      %shift_left3A_108 = arith.constant 16 : i32
      %shift_left3A_109 = vector.broadcast %shift_left3A_108 : i32 to vector<64x256xi32>
      %shift_left3A_110 = arith.shli %xor3A_106, %shift_left3A_109 : vector<64x256xi32>
      %shift_right_logical3A_111 = arith.constant 16 : i32
      %shift_right_logical3A_112 = vector.broadcast %shift_right_logical3A_111 : i32 to vector<64x256xi32>
      %shift_right_logical3A_113 = arith.shrui %xor3A_106, %shift_right_logical3A_112 : vector<64x256xi32>
      %or3A_114 = arith.ori %shift_left3A_110, %shift_right_logical3A_113 : vector<64x256xi32>
      %xor3A_115 = arith.xori %or3A_114, %add3A_107 : vector<64x256xi32>
      %add3A_116 = arith.addi %add3A_107, %xor3A_115 : vector<64x256xi32>
      %shift_left3A_117 = arith.constant 24 : i32
      %shift_left3A_118 = vector.broadcast %shift_left3A_117 : i32 to vector<64x256xi32>
      %shift_left3A_119 = arith.shli %xor3A_115, %shift_left3A_118 : vector<64x256xi32>
      %shift_right_logical3A_120 = arith.constant 8 : i32
      %shift_right_logical3A_121 = vector.broadcast %shift_right_logical3A_120 : i32 to vector<64x256xi32>
      %shift_right_logical3A_122 = arith.shrui %xor3A_115, %shift_right_logical3A_121 : vector<64x256xi32>
      %or3A_123 = arith.ori %shift_left3A_119, %shift_right_logical3A_122 : vector<64x256xi32>
      %xor3A_124 = arith.xori %or3A_123, %add3A_116 : vector<64x256xi32>
      %add3A_125 = arith.constant 466689008 : i32
      %add3A_126 = vector.broadcast %add3A_125 : i32 to vector<64x256xi32>
      %add3A_127 = arith.addi %add3A_116, %add3A_126 : vector<64x256xi32>
      %add3A_128 = arith.constant 0 : i32
      %add3A_129 = vector.broadcast %add3A_128 : i32 to vector<64x256xi32>
      %add3A_130 = arith.addi %xor3A_124, %add3A_129 : vector<64x256xi32>
      %add3A_131 = arith.constant 2 : i32
      %add3A_132 = vector.broadcast %add3A_131 : i32 to vector<64x256xi32>
      %add3A_133 = arith.addi %add3A_130, %add3A_132 : vector<64x256xi32>
      %add3A_134 = arith.addi %add3A_127, %add3A_133 : vector<64x256xi32>
      %shift_left3A_135 = arith.constant 13 : i32
      %shift_left3A_136 = vector.broadcast %shift_left3A_135 : i32 to vector<64x256xi32>
      %shift_left3A_137 = arith.shli %add3A_133, %shift_left3A_136 : vector<64x256xi32>
      %shift_right_logical3A_138 = arith.constant 19 : i32
      %shift_right_logical3A_139 = vector.broadcast %shift_right_logical3A_138 : i32 to vector<64x256xi32>
      %shift_right_logical3A_140 = arith.shrui %add3A_133, %shift_right_logical3A_139 : vector<64x256xi32>
      %or3A_141 = arith.ori %shift_left3A_137, %shift_right_logical3A_140 : vector<64x256xi32>
      %xor3A_142 = arith.xori %or3A_141, %add3A_134 : vector<64x256xi32>
      %add3A_143 = arith.addi %add3A_134, %xor3A_142 : vector<64x256xi32>
      %shift_left3A_144 = arith.constant 15 : i32
      %shift_left3A_145 = vector.broadcast %shift_left3A_144 : i32 to vector<64x256xi32>
      %shift_left3A_146 = arith.shli %xor3A_142, %shift_left3A_145 : vector<64x256xi32>
      %shift_right_logical3A_147 = arith.constant 17 : i32
      %shift_right_logical3A_148 = vector.broadcast %shift_right_logical3A_147 : i32 to vector<64x256xi32>
      %shift_right_logical3A_149 = arith.shrui %xor3A_142, %shift_right_logical3A_148 : vector<64x256xi32>
      %or3A_150 = arith.ori %shift_left3A_146, %shift_right_logical3A_149 : vector<64x256xi32>
      %xor3A_151 = arith.xori %or3A_150, %add3A_143 : vector<64x256xi32>
      %add3A_152 = arith.addi %add3A_143, %xor3A_151 : vector<64x256xi32>
      %shift_left3A_153 = arith.constant 26 : i32
      %shift_left3A_154 = vector.broadcast %shift_left3A_153 : i32 to vector<64x256xi32>
      %shift_left3A_155 = arith.shli %xor3A_151, %shift_left3A_154 : vector<64x256xi32>
      %shift_right_logical3A_156 = arith.constant 6 : i32
      %shift_right_logical3A_157 = vector.broadcast %shift_right_logical3A_156 : i32 to vector<64x256xi32>
      %shift_right_logical3A_158 = arith.shrui %xor3A_151, %shift_right_logical3A_157 : vector<64x256xi32>
      %or3A_159 = arith.ori %shift_left3A_155, %shift_right_logical3A_158 : vector<64x256xi32>
      %xor3A_160 = arith.xori %or3A_159, %add3A_152 : vector<64x256xi32>
      %add3A_161 = arith.addi %add3A_152, %xor3A_160 : vector<64x256xi32>
      %shift_left3A_162 = arith.constant 6 : i32
      %shift_left3A_163 = vector.broadcast %shift_left3A_162 : i32 to vector<64x256xi32>
      %shift_left3A_164 = arith.shli %xor3A_160, %shift_left3A_163 : vector<64x256xi32>
      %shift_right_logical3A_165 = arith.constant 26 : i32
      %shift_right_logical3A_166 = vector.broadcast %shift_right_logical3A_165 : i32 to vector<64x256xi32>
      %shift_right_logical3A_167 = arith.shrui %xor3A_160, %shift_right_logical3A_166 : vector<64x256xi32>
      %or3A_168 = arith.ori %shift_left3A_164, %shift_right_logical3A_167 : vector<64x256xi32>
      %xor3A_169 = arith.xori %or3A_168, %add3A_161 : vector<64x256xi32>
      %add3A_170 = arith.constant 0 : i32
      %add3A_171 = vector.broadcast %add3A_170 : i32 to vector<64x256xi32>
      %add3A_172 = arith.addi %add3A_161, %add3A_171 : vector<64x256xi32>
      %add3A_173 = arith.constant 42 : i32
      %add3A_174 = vector.broadcast %add3A_173 : i32 to vector<64x256xi32>
      %add3A_175 = arith.addi %xor3A_169, %add3A_174 : vector<64x256xi32>
      %add3A_176 = arith.constant 3 : i32
      %add3A_177 = vector.broadcast %add3A_176 : i32 to vector<64x256xi32>
      %add3A_178 = arith.addi %add3A_175, %add3A_177 : vector<64x256xi32>
      %add3A_179 = arith.addi %add3A_172, %add3A_178 : vector<64x256xi32>
      %shift_left3A_180 = arith.constant 17 : i32
      %shift_left3A_181 = vector.broadcast %shift_left3A_180 : i32 to vector<64x256xi32>
      %shift_left3A_182 = arith.shli %add3A_178, %shift_left3A_181 : vector<64x256xi32>
      %shift_right_logical3A_183 = arith.constant 15 : i32
      %shift_right_logical3A_184 = vector.broadcast %shift_right_logical3A_183 : i32 to vector<64x256xi32>
      %shift_right_logical3A_185 = arith.shrui %add3A_178, %shift_right_logical3A_184 : vector<64x256xi32>
      %or3A_186 = arith.ori %shift_left3A_182, %shift_right_logical3A_185 : vector<64x256xi32>
      %xor3A_187 = arith.xori %or3A_186, %add3A_179 : vector<64x256xi32>
      %add3A_188 = arith.addi %add3A_179, %xor3A_187 : vector<64x256xi32>
      %shift_left3A_189 = arith.constant 29 : i32
      %shift_left3A_190 = vector.broadcast %shift_left3A_189 : i32 to vector<64x256xi32>
      %shift_left3A_191 = arith.shli %xor3A_187, %shift_left3A_190 : vector<64x256xi32>
      %shift_right_logical3A_192 = arith.constant 3 : i32
      %shift_right_logical3A_193 = vector.broadcast %shift_right_logical3A_192 : i32 to vector<64x256xi32>
      %shift_right_logical3A_194 = arith.shrui %xor3A_187, %shift_right_logical3A_193 : vector<64x256xi32>
      %or3A_195 = arith.ori %shift_left3A_191, %shift_right_logical3A_194 : vector<64x256xi32>
      %xor3A_196 = arith.xori %or3A_195, %add3A_188 : vector<64x256xi32>
      %add3A_197 = arith.addi %add3A_188, %xor3A_196 : vector<64x256xi32>
      %shift_left3A_198 = arith.constant 16 : i32
      %shift_left3A_199 = vector.broadcast %shift_left3A_198 : i32 to vector<64x256xi32>
      %shift_left3A_200 = arith.shli %xor3A_196, %shift_left3A_199 : vector<64x256xi32>
      %shift_right_logical3A_201 = arith.constant 16 : i32
      %shift_right_logical3A_202 = vector.broadcast %shift_right_logical3A_201 : i32 to vector<64x256xi32>
      %shift_right_logical3A_203 = arith.shrui %xor3A_196, %shift_right_logical3A_202 : vector<64x256xi32>
      %or3A_204 = arith.ori %shift_left3A_200, %shift_right_logical3A_203 : vector<64x256xi32>
      %xor3A_205 = arith.xori %or3A_204, %add3A_197 : vector<64x256xi32>
      %add3A_206 = arith.addi %add3A_197, %xor3A_205 : vector<64x256xi32>
      %shift_left3A_207 = arith.constant 24 : i32
      %shift_left3A_208 = vector.broadcast %shift_left3A_207 : i32 to vector<64x256xi32>
      %shift_left3A_209 = arith.shli %xor3A_205, %shift_left3A_208 : vector<64x256xi32>
      %shift_right_logical3A_210 = arith.constant 8 : i32
      %shift_right_logical3A_211 = vector.broadcast %shift_right_logical3A_210 : i32 to vector<64x256xi32>
      %shift_right_logical3A_212 = arith.shrui %xor3A_205, %shift_right_logical3A_211 : vector<64x256xi32>
      %or3A_213 = arith.ori %shift_left3A_209, %shift_right_logical3A_212 : vector<64x256xi32>
      %xor3A_214 = arith.xori %or3A_213, %add3A_206 : vector<64x256xi32>
      %add3A_215 = arith.constant 42 : i32
      %add3A_216 = vector.broadcast %add3A_215 : i32 to vector<64x256xi32>
      %add3A_217 = arith.addi %add3A_206, %add3A_216 : vector<64x256xi32>
      %add3A_218 = arith.constant 466689008 : i32
      %add3A_219 = vector.broadcast %add3A_218 : i32 to vector<64x256xi32>
      %add3A_220 = arith.addi %xor3A_214, %add3A_219 : vector<64x256xi32>
      %add3A_221 = arith.constant 4 : i32
      %add3A_222 = vector.broadcast %add3A_221 : i32 to vector<64x256xi32>
      %add3A_223 = arith.addi %add3A_220, %add3A_222 : vector<64x256xi32>
      %add3A_224 = arith.addi %add3A_217, %add3A_223 : vector<64x256xi32>
      %shift_left3A_225 = arith.constant 13 : i32
      %shift_left3A_226 = vector.broadcast %shift_left3A_225 : i32 to vector<64x256xi32>
      %shift_left3A_227 = arith.shli %add3A_223, %shift_left3A_226 : vector<64x256xi32>
      %shift_right_logical3A_228 = arith.constant 19 : i32
      %shift_right_logical3A_229 = vector.broadcast %shift_right_logical3A_228 : i32 to vector<64x256xi32>
      %shift_right_logical3A_230 = arith.shrui %add3A_223, %shift_right_logical3A_229 : vector<64x256xi32>
      %or3A_231 = arith.ori %shift_left3A_227, %shift_right_logical3A_230 : vector<64x256xi32>
      %xor3A_232 = arith.xori %or3A_231, %add3A_224 : vector<64x256xi32>
      %add3A_233 = arith.addi %add3A_224, %xor3A_232 : vector<64x256xi32>
      %shift_left3A_234 = arith.constant 15 : i32
      %shift_left3A_235 = vector.broadcast %shift_left3A_234 : i32 to vector<64x256xi32>
      %shift_left3A_236 = arith.shli %xor3A_232, %shift_left3A_235 : vector<64x256xi32>
      %shift_right_logical3A_237 = arith.constant 17 : i32
      %shift_right_logical3A_238 = vector.broadcast %shift_right_logical3A_237 : i32 to vector<64x256xi32>
      %shift_right_logical3A_239 = arith.shrui %xor3A_232, %shift_right_logical3A_238 : vector<64x256xi32>
      %or3A_240 = arith.ori %shift_left3A_236, %shift_right_logical3A_239 : vector<64x256xi32>
      %xor3A_241 = arith.xori %or3A_240, %add3A_233 : vector<64x256xi32>
      %add3A_242 = arith.addi %add3A_233, %xor3A_241 : vector<64x256xi32>
      %shift_left3A_243 = arith.constant 26 : i32
      %shift_left3A_244 = vector.broadcast %shift_left3A_243 : i32 to vector<64x256xi32>
      %shift_left3A_245 = arith.shli %xor3A_241, %shift_left3A_244 : vector<64x256xi32>
      %shift_right_logical3A_246 = arith.constant 6 : i32
      %shift_right_logical3A_247 = vector.broadcast %shift_right_logical3A_246 : i32 to vector<64x256xi32>
      %shift_right_logical3A_248 = arith.shrui %xor3A_241, %shift_right_logical3A_247 : vector<64x256xi32>
      %or3A_249 = arith.ori %shift_left3A_245, %shift_right_logical3A_248 : vector<64x256xi32>
      %xor3A_250 = arith.xori %or3A_249, %add3A_242 : vector<64x256xi32>
      %add3A_251 = arith.addi %add3A_242, %xor3A_250 : vector<64x256xi32>
      %shift_left3A_252 = arith.constant 6 : i32
      %shift_left3A_253 = vector.broadcast %shift_left3A_252 : i32 to vector<64x256xi32>
      %shift_left3A_254 = arith.shli %xor3A_250, %shift_left3A_253 : vector<64x256xi32>
      %shift_right_logical3A_255 = arith.constant 26 : i32
      %shift_right_logical3A_256 = vector.broadcast %shift_right_logical3A_255 : i32 to vector<64x256xi32>
      %shift_right_logical3A_257 = arith.shrui %xor3A_250, %shift_right_logical3A_256 : vector<64x256xi32>
      %or3A_258 = arith.ori %shift_left3A_254, %shift_right_logical3A_257 : vector<64x256xi32>
      %xor3A_259 = arith.xori %or3A_258, %add3A_251 : vector<64x256xi32>
      %add3A_260 = arith.constant 466689008 : i32
      %add3A_261 = vector.broadcast %add3A_260 : i32 to vector<64x256xi32>
      %add3A_262 = arith.addi %add3A_251, %add3A_261 : vector<64x256xi32>
      %add3A_263 = arith.constant 0 : i32
      %add3A_264 = vector.broadcast %add3A_263 : i32 to vector<64x256xi32>
      %add3A_265 = arith.addi %xor3A_259, %add3A_264 : vector<64x256xi32>
      %add3A_266 = arith.constant 5 : i32
      %add3A_267 = vector.broadcast %add3A_266 : i32 to vector<64x256xi32>
      %add3A_268 = arith.addi %add3A_265, %add3A_267 : vector<64x256xi32>
      %xor3A_269 = arith.xori %add3A_262, %add3A_268 : vector<64x256xi32>
      %shift_right_logical3A_270 = arith.constant 9 : i32
      %shift_right_logical3A_271 = vector.broadcast %shift_right_logical3A_270 : i32 to vector<64x256xi32>
      %shift_right_logical3A_272 = arith.shrui %xor3A_269, %shift_right_logical3A_271 : vector<64x256xi32>
      %or3A_273 = arith.constant 1065353216 : i32
      %or3A_274 = vector.broadcast %or3A_273 : i32 to vector<64x256xi32>
      %or3A_275 = arith.ori %shift_right_logical3A_272, %or3A_274 : vector<64x256xi32>
      %bitcast_convert_type3A = tpu.bitcast %or3A_275 : vector<64x256xi32> -> vector<64x256xf32>
      %sub3A_276 = arith.constant 1.000000e+00 : f32
      %sub3A_277 = vector.broadcast %sub3A_276 : f32 to vector<64x256xf32>
      %sub3A_278 = arith.subf %bitcast_convert_type3A, %sub3A_277 : vector<64x256xf32>
      %max3A = arith.constant 1.17549435E-38 : f32
      %max3A_279 = vector.broadcast %max3A : f32 to vector<64x256xf32>
      %max3A_280 = arith.maximumf %sub3A_278, %max3A_279 : vector<64x256xf32>
      %log3A = math.log %max3A_280 : vector<64x256xf32>
      %mul3A_281 = arith.mulf %log3A, %div3A_17 : vector<64x256xf32>
      %bitcast_convert_type3A_282 = tpu.bitcast %mul3A_281 : vector<64x256xf32> -> vector<64x256xi32>
      %and3A = arith.constant -64 : i32
      %and3A_283 = vector.broadcast %and3A : i32 to vector<64x256xi32>
      %and3A_284 = arith.andi %bitcast_convert_type3A_282, %and3A_283 : vector<64x256xi32>
      %or3A_285 = arith.ori %and3A_284, %iota3A_20 : vector<64x256xi32>
      %reduce_min3A = arith.constant dense<2147483647> : vector<256xi32>
      %reduce_min3A_286 = vector.multi_reduction <minsi>, %or3A_285, %reduce_min3A [0] : vector<64x256xi32> to vector<256xi32>
      %broadcast_in_dim3A_287 = vector.shape_cast %reduce_min3A_286 : vector<256xi32> to vector<1x256xi32>
      %eq3A = vector.broadcast %broadcast_in_dim3A_287 : vector<1x256xi32> to vector<64x256xi32>
      %eq3A_288 = arith.cmpi eq, %or3A_285, %eq3A : vector<64x256xi32>
      %convert_element_type3A = arith.extui %eq3A_288 : vector<64x256xi1> to vector<64x256xi32>
      %convert_element_type3A_289 = arith.sitofp %convert_element_type3A : vector<64x256xi32> to vector<64x256xf32>
      %add3A_290 = arith.addf %scan3A_39, %convert_element_type3A_289 : vector<64x256xf32>
      %add3A_291 = arith.constant 1048576 : i32
      %add3A_292 = vector.broadcast %add3A_291 : i32 to vector<64x256xi32>
      %add3A_293 = arith.addi %add3A_45, %add3A_292 : vector<64x256xi32>
      %add3A_294 = arith.constant 42 : i32
      %add3A_295 = vector.broadcast %add3A_294 : i32 to vector<64x256xi32>
      %add3A_296 = arith.addi %add3A_293, %add3A_295 : vector<64x256xi32>
      %shift_left3A_297 = arith.constant 13 : i32
      %shift_left3A_298 = vector.broadcast %shift_left3A_297 : i32 to vector<64x256xi32>
      %shift_left3A_299 = arith.shli %add3A_296, %shift_left3A_298 : vector<64x256xi32>
      %shift_right_logical3A_300 = arith.constant 19 : i32
      %shift_right_logical3A_301 = vector.broadcast %shift_right_logical3A_300 : i32 to vector<64x256xi32>
      %shift_right_logical3A_302 = arith.shrui %add3A_296, %shift_right_logical3A_301 : vector<64x256xi32>
      %or3A_303 = arith.ori %shift_left3A_299, %shift_right_logical3A_302 : vector<64x256xi32>
      %xor3A_304 = arith.xori %or3A_303, %add3A_296 : vector<64x256xi32>
      %add3A_305 = arith.addi %add3A_296, %xor3A_304 : vector<64x256xi32>
      %shift_left3A_306 = arith.constant 15 : i32
      %shift_left3A_307 = vector.broadcast %shift_left3A_306 : i32 to vector<64x256xi32>
      %shift_left3A_308 = arith.shli %xor3A_304, %shift_left3A_307 : vector<64x256xi32>
      %shift_right_logical3A_309 = arith.constant 17 : i32
      %shift_right_logical3A_310 = vector.broadcast %shift_right_logical3A_309 : i32 to vector<64x256xi32>
      %shift_right_logical3A_311 = arith.shrui %xor3A_304, %shift_right_logical3A_310 : vector<64x256xi32>
      %or3A_312 = arith.ori %shift_left3A_308, %shift_right_logical3A_311 : vector<64x256xi32>
      %xor3A_313 = arith.xori %or3A_312, %add3A_305 : vector<64x256xi32>
      %add3A_314 = arith.addi %add3A_305, %xor3A_313 : vector<64x256xi32>
      %shift_left3A_315 = arith.constant 26 : i32
      %shift_left3A_316 = vector.broadcast %shift_left3A_315 : i32 to vector<64x256xi32>
      %shift_left3A_317 = arith.shli %xor3A_313, %shift_left3A_316 : vector<64x256xi32>
      %shift_right_logical3A_318 = arith.constant 6 : i32
      %shift_right_logical3A_319 = vector.broadcast %shift_right_logical3A_318 : i32 to vector<64x256xi32>
      %shift_right_logical3A_320 = arith.shrui %xor3A_313, %shift_right_logical3A_319 : vector<64x256xi32>
      %or3A_321 = arith.ori %shift_left3A_317, %shift_right_logical3A_320 : vector<64x256xi32>
      %xor3A_322 = arith.xori %or3A_321, %add3A_314 : vector<64x256xi32>
      %add3A_323 = arith.addi %add3A_314, %xor3A_322 : vector<64x256xi32>
      %shift_left3A_324 = arith.constant 6 : i32
      %shift_left3A_325 = vector.broadcast %shift_left3A_324 : i32 to vector<64x256xi32>
      %shift_left3A_326 = arith.shli %xor3A_322, %shift_left3A_325 : vector<64x256xi32>
      %shift_right_logical3A_327 = arith.constant 26 : i32
      %shift_right_logical3A_328 = vector.broadcast %shift_right_logical3A_327 : i32 to vector<64x256xi32>
      %shift_right_logical3A_329 = arith.shrui %xor3A_322, %shift_right_logical3A_328 : vector<64x256xi32>
      %or3A_330 = arith.ori %shift_left3A_326, %shift_right_logical3A_329 : vector<64x256xi32>
      %xor3A_331 = arith.xori %or3A_330, %add3A_323 : vector<64x256xi32>
      %add3A_332 = arith.constant 42 : i32
      %add3A_333 = vector.broadcast %add3A_332 : i32 to vector<64x256xi32>
      %add3A_334 = arith.addi %add3A_323, %add3A_333 : vector<64x256xi32>
      %add3A_335 = arith.constant 466689008 : i32
      %add3A_336 = vector.broadcast %add3A_335 : i32 to vector<64x256xi32>
      %add3A_337 = arith.addi %xor3A_331, %add3A_336 : vector<64x256xi32>
      %add3A_338 = arith.constant 1 : i32
      %add3A_339 = vector.broadcast %add3A_338 : i32 to vector<64x256xi32>
      %add3A_340 = arith.addi %add3A_337, %add3A_339 : vector<64x256xi32>
      %add3A_341 = arith.addi %add3A_334, %add3A_340 : vector<64x256xi32>
      %shift_left3A_342 = arith.constant 17 : i32
      %shift_left3A_343 = vector.broadcast %shift_left3A_342 : i32 to vector<64x256xi32>
      %shift_left3A_344 = arith.shli %add3A_340, %shift_left3A_343 : vector<64x256xi32>
      %shift_right_logical3A_345 = arith.constant 15 : i32
      %shift_right_logical3A_346 = vector.broadcast %shift_right_logical3A_345 : i32 to vector<64x256xi32>
      %shift_right_logical3A_347 = arith.shrui %add3A_340, %shift_right_logical3A_346 : vector<64x256xi32>
      %or3A_348 = arith.ori %shift_left3A_344, %shift_right_logical3A_347 : vector<64x256xi32>
      %xor3A_349 = arith.xori %or3A_348, %add3A_341 : vector<64x256xi32>
      %add3A_350 = arith.addi %add3A_341, %xor3A_349 : vector<64x256xi32>
      %shift_left3A_351 = arith.constant 29 : i32
      %shift_left3A_352 = vector.broadcast %shift_left3A_351 : i32 to vector<64x256xi32>
      %shift_left3A_353 = arith.shli %xor3A_349, %shift_left3A_352 : vector<64x256xi32>
      %shift_right_logical3A_354 = arith.constant 3 : i32
      %shift_right_logical3A_355 = vector.broadcast %shift_right_logical3A_354 : i32 to vector<64x256xi32>
      %shift_right_logical3A_356 = arith.shrui %xor3A_349, %shift_right_logical3A_355 : vector<64x256xi32>
      %or3A_357 = arith.ori %shift_left3A_353, %shift_right_logical3A_356 : vector<64x256xi32>
      %xor3A_358 = arith.xori %or3A_357, %add3A_350 : vector<64x256xi32>
      %add3A_359 = arith.addi %add3A_350, %xor3A_358 : vector<64x256xi32>
      %shift_left3A_360 = arith.constant 16 : i32
      %shift_left3A_361 = vector.broadcast %shift_left3A_360 : i32 to vector<64x256xi32>
      %shift_left3A_362 = arith.shli %xor3A_358, %shift_left3A_361 : vector<64x256xi32>
      %shift_right_logical3A_363 = arith.constant 16 : i32
      %shift_right_logical3A_364 = vector.broadcast %shift_right_logical3A_363 : i32 to vector<64x256xi32>
      %shift_right_logical3A_365 = arith.shrui %xor3A_358, %shift_right_logical3A_364 : vector<64x256xi32>
      %or3A_366 = arith.ori %shift_left3A_362, %shift_right_logical3A_365 : vector<64x256xi32>
      %xor3A_367 = arith.xori %or3A_366, %add3A_359 : vector<64x256xi32>
      %add3A_368 = arith.addi %add3A_359, %xor3A_367 : vector<64x256xi32>
      %shift_left3A_369 = arith.constant 24 : i32
      %shift_left3A_370 = vector.broadcast %shift_left3A_369 : i32 to vector<64x256xi32>
      %shift_left3A_371 = arith.shli %xor3A_367, %shift_left3A_370 : vector<64x256xi32>
      %shift_right_logical3A_372 = arith.constant 8 : i32
      %shift_right_logical3A_373 = vector.broadcast %shift_right_logical3A_372 : i32 to vector<64x256xi32>
      %shift_right_logical3A_374 = arith.shrui %xor3A_367, %shift_right_logical3A_373 : vector<64x256xi32>
      %or3A_375 = arith.ori %shift_left3A_371, %shift_right_logical3A_374 : vector<64x256xi32>
      %xor3A_376 = arith.xori %or3A_375, %add3A_368 : vector<64x256xi32>
      %add3A_377 = arith.constant 466689008 : i32
      %add3A_378 = vector.broadcast %add3A_377 : i32 to vector<64x256xi32>
      %add3A_379 = arith.addi %add3A_368, %add3A_378 : vector<64x256xi32>
      %add3A_380 = arith.constant 0 : i32
      %add3A_381 = vector.broadcast %add3A_380 : i32 to vector<64x256xi32>
      %add3A_382 = arith.addi %xor3A_376, %add3A_381 : vector<64x256xi32>
      %add3A_383 = arith.constant 2 : i32
      %add3A_384 = vector.broadcast %add3A_383 : i32 to vector<64x256xi32>
      %add3A_385 = arith.addi %add3A_382, %add3A_384 : vector<64x256xi32>
      %add3A_386 = arith.addi %add3A_379, %add3A_385 : vector<64x256xi32>
      %shift_left3A_387 = arith.constant 13 : i32
      %shift_left3A_388 = vector.broadcast %shift_left3A_387 : i32 to vector<64x256xi32>
      %shift_left3A_389 = arith.shli %add3A_385, %shift_left3A_388 : vector<64x256xi32>
      %shift_right_logical3A_390 = arith.constant 19 : i32
      %shift_right_logical3A_391 = vector.broadcast %shift_right_logical3A_390 : i32 to vector<64x256xi32>
      %shift_right_logical3A_392 = arith.shrui %add3A_385, %shift_right_logical3A_391 : vector<64x256xi32>
      %or3A_393 = arith.ori %shift_left3A_389, %shift_right_logical3A_392 : vector<64x256xi32>
      %xor3A_394 = arith.xori %or3A_393, %add3A_386 : vector<64x256xi32>
      %add3A_395 = arith.addi %add3A_386, %xor3A_394 : vector<64x256xi32>
      %shift_left3A_396 = arith.constant 15 : i32
      %shift_left3A_397 = vector.broadcast %shift_left3A_396 : i32 to vector<64x256xi32>
      %shift_left3A_398 = arith.shli %xor3A_394, %shift_left3A_397 : vector<64x256xi32>
      %shift_right_logical3A_399 = arith.constant 17 : i32
      %shift_right_logical3A_400 = vector.broadcast %shift_right_logical3A_399 : i32 to vector<64x256xi32>
      %shift_right_logical3A_401 = arith.shrui %xor3A_394, %shift_right_logical3A_400 : vector<64x256xi32>
      %or3A_402 = arith.ori %shift_left3A_398, %shift_right_logical3A_401 : vector<64x256xi32>
      %xor3A_403 = arith.xori %or3A_402, %add3A_395 : vector<64x256xi32>
      %add3A_404 = arith.addi %add3A_395, %xor3A_403 : vector<64x256xi32>
      %shift_left3A_405 = arith.constant 26 : i32
      %shift_left3A_406 = vector.broadcast %shift_left3A_405 : i32 to vector<64x256xi32>
      %shift_left3A_407 = arith.shli %xor3A_403, %shift_left3A_406 : vector<64x256xi32>
      %shift_right_logical3A_408 = arith.constant 6 : i32
      %shift_right_logical3A_409 = vector.broadcast %shift_right_logical3A_408 : i32 to vector<64x256xi32>
      %shift_right_logical3A_410 = arith.shrui %xor3A_403, %shift_right_logical3A_409 : vector<64x256xi32>
      %or3A_411 = arith.ori %shift_left3A_407, %shift_right_logical3A_410 : vector<64x256xi32>
      %xor3A_412 = arith.xori %or3A_411, %add3A_404 : vector<64x256xi32>
      %add3A_413 = arith.addi %add3A_404, %xor3A_412 : vector<64x256xi32>
      %shift_left3A_414 = arith.constant 6 : i32
      %shift_left3A_415 = vector.broadcast %shift_left3A_414 : i32 to vector<64x256xi32>
      %shift_left3A_416 = arith.shli %xor3A_412, %shift_left3A_415 : vector<64x256xi32>
      %shift_right_logical3A_417 = arith.constant 26 : i32
      %shift_right_logical3A_418 = vector.broadcast %shift_right_logical3A_417 : i32 to vector<64x256xi32>
      %shift_right_logical3A_419 = arith.shrui %xor3A_412, %shift_right_logical3A_418 : vector<64x256xi32>
      %or3A_420 = arith.ori %shift_left3A_416, %shift_right_logical3A_419 : vector<64x256xi32>
      %xor3A_421 = arith.xori %or3A_420, %add3A_413 : vector<64x256xi32>
      %add3A_422 = arith.constant 0 : i32
      %add3A_423 = vector.broadcast %add3A_422 : i32 to vector<64x256xi32>
      %add3A_424 = arith.addi %add3A_413, %add3A_423 : vector<64x256xi32>
      %add3A_425 = arith.constant 42 : i32
      %add3A_426 = vector.broadcast %add3A_425 : i32 to vector<64x256xi32>
      %add3A_427 = arith.addi %xor3A_421, %add3A_426 : vector<64x256xi32>
      %add3A_428 = arith.constant 3 : i32
      %add3A_429 = vector.broadcast %add3A_428 : i32 to vector<64x256xi32>
      %add3A_430 = arith.addi %add3A_427, %add3A_429 : vector<64x256xi32>
      %add3A_431 = arith.addi %add3A_424, %add3A_430 : vector<64x256xi32>
      %shift_left3A_432 = arith.constant 17 : i32
      %shift_left3A_433 = vector.broadcast %shift_left3A_432 : i32 to vector<64x256xi32>
      %shift_left3A_434 = arith.shli %add3A_430, %shift_left3A_433 : vector<64x256xi32>
      %shift_right_logical3A_435 = arith.constant 15 : i32
      %shift_right_logical3A_436 = vector.broadcast %shift_right_logical3A_435 : i32 to vector<64x256xi32>
      %shift_right_logical3A_437 = arith.shrui %add3A_430, %shift_right_logical3A_436 : vector<64x256xi32>
      %or3A_438 = arith.ori %shift_left3A_434, %shift_right_logical3A_437 : vector<64x256xi32>
      %xor3A_439 = arith.xori %or3A_438, %add3A_431 : vector<64x256xi32>
      %add3A_440 = arith.addi %add3A_431, %xor3A_439 : vector<64x256xi32>
      %shift_left3A_441 = arith.constant 29 : i32
      %shift_left3A_442 = vector.broadcast %shift_left3A_441 : i32 to vector<64x256xi32>
      %shift_left3A_443 = arith.shli %xor3A_439, %shift_left3A_442 : vector<64x256xi32>
      %shift_right_logical3A_444 = arith.constant 3 : i32
      %shift_right_logical3A_445 = vector.broadcast %shift_right_logical3A_444 : i32 to vector<64x256xi32>
      %shift_right_logical3A_446 = arith.shrui %xor3A_439, %shift_right_logical3A_445 : vector<64x256xi32>
      %or3A_447 = arith.ori %shift_left3A_443, %shift_right_logical3A_446 : vector<64x256xi32>
      %xor3A_448 = arith.xori %or3A_447, %add3A_440 : vector<64x256xi32>
      %add3A_449 = arith.addi %add3A_440, %xor3A_448 : vector<64x256xi32>
      %shift_left3A_450 = arith.constant 16 : i32
      %shift_left3A_451 = vector.broadcast %shift_left3A_450 : i32 to vector<64x256xi32>
      %shift_left3A_452 = arith.shli %xor3A_448, %shift_left3A_451 : vector<64x256xi32>
      %shift_right_logical3A_453 = arith.constant 16 : i32
      %shift_right_logical3A_454 = vector.broadcast %shift_right_logical3A_453 : i32 to vector<64x256xi32>
      %shift_right_logical3A_455 = arith.shrui %xor3A_448, %shift_right_logical3A_454 : vector<64x256xi32>
      %or3A_456 = arith.ori %shift_left3A_452, %shift_right_logical3A_455 : vector<64x256xi32>
      %xor3A_457 = arith.xori %or3A_456, %add3A_449 : vector<64x256xi32>
      %add3A_458 = arith.addi %add3A_449, %xor3A_457 : vector<64x256xi32>
      %shift_left3A_459 = arith.constant 24 : i32
      %shift_left3A_460 = vector.broadcast %shift_left3A_459 : i32 to vector<64x256xi32>
      %shift_left3A_461 = arith.shli %xor3A_457, %shift_left3A_460 : vector<64x256xi32>
      %shift_right_logical3A_462 = arith.constant 8 : i32
      %shift_right_logical3A_463 = vector.broadcast %shift_right_logical3A_462 : i32 to vector<64x256xi32>
      %shift_right_logical3A_464 = arith.shrui %xor3A_457, %shift_right_logical3A_463 : vector<64x256xi32>
      %or3A_465 = arith.ori %shift_left3A_461, %shift_right_logical3A_464 : vector<64x256xi32>
      %xor3A_466 = arith.xori %or3A_465, %add3A_458 : vector<64x256xi32>
      %add3A_467 = arith.constant 42 : i32
      %add3A_468 = vector.broadcast %add3A_467 : i32 to vector<64x256xi32>
      %add3A_469 = arith.addi %add3A_458, %add3A_468 : vector<64x256xi32>
      %add3A_470 = arith.constant 466689008 : i32
      %add3A_471 = vector.broadcast %add3A_470 : i32 to vector<64x256xi32>
      %add3A_472 = arith.addi %xor3A_466, %add3A_471 : vector<64x256xi32>
      %add3A_473 = arith.constant 4 : i32
      %add3A_474 = vector.broadcast %add3A_473 : i32 to vector<64x256xi32>
      %add3A_475 = arith.addi %add3A_472, %add3A_474 : vector<64x256xi32>
      %add3A_476 = arith.addi %add3A_469, %add3A_475 : vector<64x256xi32>
      %shift_left3A_477 = arith.constant 13 : i32
      %shift_left3A_478 = vector.broadcast %shift_left3A_477 : i32 to vector<64x256xi32>
      %shift_left3A_479 = arith.shli %add3A_475, %shift_left3A_478 : vector<64x256xi32>
      %shift_right_logical3A_480 = arith.constant 19 : i32
      %shift_right_logical3A_481 = vector.broadcast %shift_right_logical3A_480 : i32 to vector<64x256xi32>
      %shift_right_logical3A_482 = arith.shrui %add3A_475, %shift_right_logical3A_481 : vector<64x256xi32>
      %or3A_483 = arith.ori %shift_left3A_479, %shift_right_logical3A_482 : vector<64x256xi32>
      %xor3A_484 = arith.xori %or3A_483, %add3A_476 : vector<64x256xi32>
      %add3A_485 = arith.addi %add3A_476, %xor3A_484 : vector<64x256xi32>
      %shift_left3A_486 = arith.constant 15 : i32
      %shift_left3A_487 = vector.broadcast %shift_left3A_486 : i32 to vector<64x256xi32>
      %shift_left3A_488 = arith.shli %xor3A_484, %shift_left3A_487 : vector<64x256xi32>
      %shift_right_logical3A_489 = arith.constant 17 : i32
      %shift_right_logical3A_490 = vector.broadcast %shift_right_logical3A_489 : i32 to vector<64x256xi32>
      %shift_right_logical3A_491 = arith.shrui %xor3A_484, %shift_right_logical3A_490 : vector<64x256xi32>
      %or3A_492 = arith.ori %shift_left3A_488, %shift_right_logical3A_491 : vector<64x256xi32>
      %xor3A_493 = arith.xori %or3A_492, %add3A_485 : vector<64x256xi32>
      %add3A_494 = arith.addi %add3A_485, %xor3A_493 : vector<64x256xi32>
      %shift_left3A_495 = arith.constant 26 : i32
      %shift_left3A_496 = vector.broadcast %shift_left3A_495 : i32 to vector<64x256xi32>
      %shift_left3A_497 = arith.shli %xor3A_493, %shift_left3A_496 : vector<64x256xi32>
      %shift_right_logical3A_498 = arith.constant 6 : i32
      %shift_right_logical3A_499 = vector.broadcast %shift_right_logical3A_498 : i32 to vector<64x256xi32>
      %shift_right_logical3A_500 = arith.shrui %xor3A_493, %shift_right_logical3A_499 : vector<64x256xi32>
      %or3A_501 = arith.ori %shift_left3A_497, %shift_right_logical3A_500 : vector<64x256xi32>
      %xor3A_502 = arith.xori %or3A_501, %add3A_494 : vector<64x256xi32>
      %add3A_503 = arith.addi %add3A_494, %xor3A_502 : vector<64x256xi32>
      %shift_left3A_504 = arith.constant 6 : i32
      %shift_left3A_505 = vector.broadcast %shift_left3A_504 : i32 to vector<64x256xi32>
      %shift_left3A_506 = arith.shli %xor3A_502, %shift_left3A_505 : vector<64x256xi32>
      %shift_right_logical3A_507 = arith.constant 26 : i32
      %shift_right_logical3A_508 = vector.broadcast %shift_right_logical3A_507 : i32 to vector<64x256xi32>
      %shift_right_logical3A_509 = arith.shrui %xor3A_502, %shift_right_logical3A_508 : vector<64x256xi32>
      %or3A_510 = arith.ori %shift_left3A_506, %shift_right_logical3A_509 : vector<64x256xi32>
      %xor3A_511 = arith.xori %or3A_510, %add3A_503 : vector<64x256xi32>
      %add3A_512 = arith.constant 466689008 : i32
      %add3A_513 = vector.broadcast %add3A_512 : i32 to vector<64x256xi32>
      %add3A_514 = arith.addi %add3A_503, %add3A_513 : vector<64x256xi32>
      %add3A_515 = arith.constant 0 : i32
      %add3A_516 = vector.broadcast %add3A_515 : i32 to vector<64x256xi32>
      %add3A_517 = arith.addi %xor3A_511, %add3A_516 : vector<64x256xi32>
      %add3A_518 = arith.constant 5 : i32
      %add3A_519 = vector.broadcast %add3A_518 : i32 to vector<64x256xi32>
      %add3A_520 = arith.addi %add3A_517, %add3A_519 : vector<64x256xi32>
      %xor3A_521 = arith.xori %add3A_514, %add3A_520 : vector<64x256xi32>
      %shift_right_logical3A_522 = arith.constant 9 : i32
      %shift_right_logical3A_523 = vector.broadcast %shift_right_logical3A_522 : i32 to vector<64x256xi32>
      %shift_right_logical3A_524 = arith.shrui %xor3A_521, %shift_right_logical3A_523 : vector<64x256xi32>
      %or3A_525 = arith.constant 1065353216 : i32
      %or3A_526 = vector.broadcast %or3A_525 : i32 to vector<64x256xi32>
      %or3A_527 = arith.ori %shift_right_logical3A_524, %or3A_526 : vector<64x256xi32>
      %bitcast_convert_type3A_528 = tpu.bitcast %or3A_527 : vector<64x256xi32> -> vector<64x256xf32>
      %sub3A_529 = arith.constant 1.000000e+00 : f32
      %sub3A_530 = vector.broadcast %sub3A_529 : f32 to vector<64x256xf32>
      %sub3A_531 = arith.subf %bitcast_convert_type3A_528, %sub3A_530 : vector<64x256xf32>
      %max3A_532 = arith.constant 1.17549435E-38 : f32
      %max3A_533 = vector.broadcast %max3A_532 : f32 to vector<64x256xf32>
      %max3A_534 = arith.maximumf %sub3A_531, %max3A_533 : vector<64x256xf32>
      %log3A_535 = math.log %max3A_534 : vector<64x256xf32>
      %mul3A_536 = arith.mulf %log3A_535, %div3A_17 : vector<64x256xf32>
      %bitcast_convert_type3A_537 = tpu.bitcast %mul3A_536 : vector<64x256xf32> -> vector<64x256xi32>
      %and3A_538 = arith.constant -64 : i32
      %and3A_539 = vector.broadcast %and3A_538 : i32 to vector<64x256xi32>
      %and3A_540 = arith.andi %bitcast_convert_type3A_537, %and3A_539 : vector<64x256xi32>
      %or3A_541 = arith.ori %and3A_540, %iota3A_20 : vector<64x256xi32>
      %reduce_min3A_542 = arith.constant dense<2147483647> : vector<256xi32>
      %reduce_min3A_543 = vector.multi_reduction <minsi>, %or3A_541, %reduce_min3A_542 [0] : vector<64x256xi32> to vector<256xi32>
      %broadcast_in_dim3A_544 = vector.shape_cast %reduce_min3A_543 : vector<256xi32> to vector<1x256xi32>
      %eq3A_545 = vector.broadcast %broadcast_in_dim3A_544 : vector<1x256xi32> to vector<64x256xi32>
      %eq3A_546 = arith.cmpi eq, %or3A_541, %eq3A_545 : vector<64x256xi32>
      %convert_element_type3A_547 = arith.extui %eq3A_546 : vector<64x256xi1> to vector<64x256xi32>
      %convert_element_type3A_548 = arith.sitofp %convert_element_type3A_547 : vector<64x256xi32> to vector<64x256xf32>
      %add3A_549 = arith.addf %add3A_290, %convert_element_type3A_548 : vector<64x256xf32>
      scf.yield %add3A_549 : vector<64x256xf32>
    }
    %scan3A_31 = arith.constant 50 : i32
    %mul3A_32 = arith.mulf %scan3A_30, %div3A_14 : vector<64x256xf32>
    %mul3A_33 = arith.constant 0.00999999977 : f32
    %mul3A_34 = vector.broadcast %mul3A_33 : f32 to vector<64x256xf32>
    %mul3A_35 = arith.mulf %mul3A_32, %mul3A_34 : vector<64x256xf32>
    %swap3A = arith.constant 0 : index
    %swap3A_36 = arith.constant 0 : index
    %swap3A_37 = vector.load %arg3[%swap3A, %swap3A_36] : memref<64x256xf32, #tpu.memory_space<vmem>>, vector<64x256xf32>
    tpu.vector_store %arg3[%swap3A, %swap3A_36], %mul3A_35 {strides = array<i32>} : memref<64x256xf32, #tpu.memory_space<vmem>>, vector<64x256xf32>,
    return
  }
  func.func @transform_0(%arg0: i32) -> (i32, i32) {
    %c0_i32 = arith.constant 0 : i32
    %c0_i32_0 = arith.constant 0 : i32
    return %c0_i32, %arg0 : i32, i32
  }
  func.func @transform_1(%arg0: i32) -> (i32, i32) {
    %c0_i32 = arith.constant 0 : i32
    %c0_i32_0 = arith.constant 0 : i32
    return %c0_i32, %arg0 : i32, i32
  }
  func.func @transform_2(%arg0: i32) -> (i32, i32) {
    %c0_i32 = arith.constant 0 : i32
    %c0_i32_0 = arith.constant 0 : i32
    return %c0_i32, %arg0 : i32, i32
  }
}

</mosaic_0001>

<sc_bundles>
// kernel: kernel.4.cloned.1.call-start
scs
__scs_entry_jumppad:
0x0: {  	(pc) =	sbr.rel $0x88, $3  }
0x1: {  	(tag) =	ssettag $0x0;
	lr =	simm.s32 $0x1  }
0x2: {  	[smem:$0x3F9F] =	sst lr;
	_ =	strace $0xD0000000  }
0x3: {  	_ = 	snop  }
0x4: {  	_ = 	snop  }
0x5: {  	_ = 	snop  }
0x6: {  	_ = 	snop  }
0x7: {  	_ = 	snop  }
__scs_overlays_trampoline_lowered:
0x8: {  	[smem:$0x3FAE] =	sst s0  }
0x9: {  	[smem:$0x3FAF] =	sst s1  }
0xa: {  	[smem:$0x3FB0] =	sst s2  }
0xb: {  	[smem:$0x3FB1] =	sst s3  }
0xc: {  	[smem:$0x3FB2] =	sst s4  }
0xd: {  	[smem:$0x3FB3] =	sst s5  }
0xe: {  	[smem:$0x3FB4] =	sst s6  }
0xf: {  	[smem:$0x3FB5] =	sst s7  }
0x10: {  	[smem:$0x3FB6] =	sst s8  }
0x11: {  	[smem:$0x3FB7] =	sst s9;
	s0 =	simm.s32 @!p0 $0x0  }
0x12: {  	s1 =	sld [smem:$0x3F9D];
	s0 =	simm.s32 @p0 $0x1  }
0x13: {  	[smem:$0x3FB8] =	sst s0;
	s0 =	simm.s32 @!p1 $0x0  }
0x14: {  	s2 =	sld [smem:$0x3F9C];
	s0 =	simm.s32 @p1 $0x1  }
0x15: {  	[smem:$0x3FB9] =	sst s0;
	s0 =	simm.s32 @!p2 $0x0  }
0x16: {  	s3 =	sld [smem:$0x3FDB];
	s0 =	simm.s32 @p2 $0x1  }
0x17: {  	s4 =	simm.s32 $0x1BF5;
	[smem:$0x3FBB] =	sst s0  }
0x18: {  	s0 =	sld [smem:$0x3F9E];
	_ =	swait.ge [sflag:s4], $0x0  }
0x19: {  	s7 =	sld [smem:$0x3F9F]  }
0x1a: {  	s8 =	sadd.s32 $0xFFFFE003, lr  }
0x1b: {  	s9 =	sadd.s32 $0xFFFFFEF7, lr;
	s5 =	simm.s32 $0xFFFFFFFF;
	p2 =	slt.u32 s8, $0xFFFFF086  }
0x1c: {  	p1 =	slt.u32 s9, $0xF7A;
	s5 =	simm.s32 @!p2 $0x0  }
0x1d: {  	s5 =	simm.s32 @p1 $0x1;
	p0 =	seq.s32 s7, s2  }
0x1e: {  	s7 =	smul.u32 @!p0 $0xF7A, s2;
	p2 =	seq.s32 @!p0 s5, $0x0  }
0x1f: {  	s9 =	smul.u32 $0xF7A, s1;
	s8 =	simm.s32 @!p0 $0x1BF5;
	p2 =	por !p2, p0  }
0x20: {  	[sflag:s8] =	ssyncset.s32 @!p0 $0xFFFFF086;
	s6 =	sadd.s32 @!p0 s3, s7;
	s7 =	simm.s32 @!p0 $0x108  }
0x21: {  	s3 =	sadd.s32 s3, s9;
	s6 =	sadd.s32 @!p0 $0x88, s6;
	s7 =	simm.s32 @p2 $0x1082  }
0x22: {  	[simem:s7], [sflag:s8] =	dma.local @!p0 [hbm:s6], $0xF7A  }
0x23: {  	s9 =	sor.u32 $0xD0000000, s2;
	s6 =	simm.s32 $0x108;
	_ =	swait.ge @!p0 [sflag:s8], $0x0  }
0x24: {  	s3 =	sadd.s32 $0x88, s3;
	s6 =	simm.s32 @!p1 $0x1082;
	[sflag:s4] =	ssyncset.s32 $0xFFFFF086  }
0x25: {  	[simem:s6], [sflag:s4] =	dma.local [hbm:s3], $0xF7A  }
0x26: {  	[smem:$0x3F9F] =	sst s1;
	(tag) =	ssettag s2;
	_ =	strace s9  }
0x27: {  	s1 =	sld [smem:$0x3FAF]  }
0x28: {  	s2 =	sld [smem:$0x3FB0]  }
0x29: {  	s4 =	sld [smem:$0x3FB2]  }
0x2a: {  	p0 =	seq.s32 s5, $0x0;
	s5 =	sld [smem:$0x3FB3]  }
0x2b: {  	s6 =	sld [smem:$0x3FB4]  }
0x2c: {  	s7 =	sld [smem:$0x3FB5]  }
0x2d: {  	s3 =	simm.s32 $0x108;
	s8 =	sld [smem:$0x3FB6]  }
0x2e: {  	s3 =	simm.s32 @!p0 $0x1082;
	s9 =	sld [smem:$0x3FB7]  }
0x2f: {  	lr =	sadd.s32 s0, s3;
	s0 =	sld [smem:$0x3FAE]  }
0x30: {  	s3 =	sld [smem:$0x3FB1]  }
0x31: {  	[smem:$0x3FBA] =	sst s10  }
0x32: {  	s10 =	sld [smem:$0x3FB8];
	_ =	sdelay $0x3  }
0x33: {  	p0 =	seq.s32 s10, $0x1;
	s10 =	sld [smem:$0x3FBA];
	_ =	sdelay $0x3  }
0x34: {  	[smem:$0x3FBA] =	sst s10  }
0x35: {  	s10 =	sld [smem:$0x3FB9];
	_ =	sdelay $0x3  }
0x36: {  	p1 =	seq.s32 s10, $0x1;
	s10 =	sld [smem:$0x3FBA];
	_ =	sdelay $0x3  }
0x37: {  	[smem:$0x3FBA] =	sst s10  }
0x38: {  	s10 =	sld [smem:$0x3FBB]  }
0x39: {  	_ = 	snop;
	(pc) =	sbr.ind lr, $3  }
0x3a: {  	_ = 	snop  }
0x3b: {  	_ = 	snop  }
0x3c: {  	p2 =	seq.s32 s10, $0x1;
	s10 =	sld [smem:$0x3FBA]  }
0x3d: {  	_ =	shalt  }
0x3e: {  	_ =	shalt  }
0x3f: {  	_ =	shalt  }
0x40: {  	_ =	shalt  }
0x41: {  	_ =	shalt  }
0x42: {  	_ =	shalt  }
0x43: {  	_ =	shalt  }
0x44: {  	_ =	shalt  }
0x45: {  	_ =	shalt  }
0x46: {  	_ =	shalt  }
0x47: {  	_ =	shalt  }
0x48: {  	_ =	shalt  }
0x49: {  	_ =	shalt  }
0x4a: {  	_ =	shalt  }
0x4b: {  	_ =	shalt  }
0x4c: {  	_ =	shalt  }
0x4d: {  	_ =	shalt  }
0x4e: {  	_ =	shalt  }
0x4f: {  	_ =	shalt  }
0x50: {  	_ =	shalt  }
0x51: {  	_ =	shalt  }
0x52: {  	_ =	shalt  }
0x53: {  	_ =	shalt  }
0x54: {  	_ =	shalt  }
0x55: {  	_ =	shalt  }
0x56: {  	_ =	shalt  }
0x57: {  	_ =	shalt  }
0x58: {  	_ =	shalt  }
0x59: {  	_ =	shalt  }
0x5a: {  	_ =	shalt  }
0x5b: {  	_ =	shalt  }
0x5c: {  	_ =	shalt  }
0x5d: {  	_ =	shalt  }
0x5e: {  	_ =	shalt  }
0x5f: {  	_ =	shalt  }
0x60: {  	_ =	shalt  }
0x61: {  	_ =	shalt  }
0x62: {  	_ =	shalt  }
0x63: {  	_ =	shalt  }
0x64: {  	_ =	shalt  }
0x65: {  	_ =	shalt  }
0x66: {  	_ =	shalt  }
0x67: {  	_ =	shalt  }
0x68: {  	_ =	shalt  }
0x69: {  	_ =	shalt  }
0x6a: {  	_ =	shalt  }
0x6b: {  	_ =	shalt  }
0x6c: {  	_ =	shalt  }
0x6d: {  	_ =	shalt  }
0x6e: {  	_ =	shalt  }
0x6f: {  	_ =	shalt  }
0x70: {  	_ =	shalt  }
0x71: {  	_ =	shalt  }
0x72: {  	_ =	shalt  }
0x73: {  	_ =	shalt  }
0x74: {  	_ =	shalt  }
0x75: {  	_ =	shalt  }
0x76: {  	_ =	shalt  }
0x77: {  	_ =	shalt  }
0x78: {  	_ =	shalt  }
0x79: {  	_ =	shalt  }
0x7a: {  	_ =	shalt  }
0x7b: {  	_ =	shalt  }
0x7c: {  	_ =	shalt  }
0x7d: {  	_ =	shalt  }
0x7e: {  	_ =	shalt  }
0x7f: {  	_ =	shalt  }
0x80: {  	_ =	shalt  }
0x81: {  	_ =	shalt  }
0x82: {  	_ =	shalt  }
0x83: {  	_ =	shalt  }
0x84: {  	_ =	shalt  }
0x85: {  	_ =	shalt  }
0x86: {  	_ =	shalt  }
0x87: {  	_ =	shalt  }
.Lfunc_end0:
.L_simem_size_0:
called_computation_lowered:
.L_overlay_start_0:
0x88: {  	s2 =	sld [smem:$0x3FD9]  }
0x89: {  	s3 =	sld [smem:$0x3FFE];
	_ =	sdelay $0x1  }
0x8a: {  	s1 =	srdreg.scid  }
0x8b: {  	s0 =	sand.u32 $0x1, s1  }
0x8c: {  	s16 =	sshll.u32 s0, $0xA;
	s2 =	sadd.s32 s3, s2  }
0x8d: {  	s2 =	sadd.s32 s2, s16  }
0x8e: {  	[smem:$0x3FC6] =	sst s2  }
0x8f: {  	_ = 	snop  }
0x90: {  	(tm) =	ssettm $0x1  }
0x91: {  	s17 =	sld [smem:$0x3FFB];
	_ =	sdelay $0x3  }
0x92: {  	_ =	strace s17  }
0x93: {  	s2 =	sld [smem:$0x3FFC];
	_ =	sdelay $0x3  }
0x94: {  	_ =	strace s2  }
0x95: {  	s2 =	sld [smem:$0x3FFD];
	_ =	sdelay $0x3  }
0x96: {  	_ =	strace s2  }
0x97: {  	_ =	strace $0x8FFFFFFF  }
0x98: {  	s18 =	sld [smem:$0x3FDB];
	_ =	sdelay $0x1  }
0x99: {  	s19 =	simm.s32 $_scs_section_size  }
0x9a: {  	s4 =	simm.s32 $_size__tile_overlayer_lowered;
	s5 =	simm.s32 $_tile_overlayer_lowered  }
0x9b: {  	s22 =	simm.s32 $0x1BFF;
	s21 =	sshll.u32 s5, $0x1;
	s2 =	sadd.s32 s19, s18  }
0x9c: {  	s6 =	simm.s32 $0x0;
	s20 =	sshll.u32 s4, $0x1;
	s4 =	sadd.s32 s21, s2  }
0x9d: {  	[timem:s6], [sflag:s22] =	dma.local [hbm:s4], s20  }
0x9e: {  	_ =	swait.ge [sflag:s22], s20  }
0x9f: {  	s3 =	ssub.s32 $0x0, s20;
	[sflag:s22] =	ssyncset.done $0x0  }
0xa0: {  	[sflag:s22] =	ssyncadd.s32 s3;
	_ =	sdelay $0x1  }
0xa1: {  	s23 =	simm.s32 $0x1B8B  }
0xa2: {  	_ =	swait.ge [sflag:s23], $0x1  }
0xa3: {  	[sflag:s23] =	ssyncset.done $0x0  }
0xa4: {  	s25 =	simm.s32 $0x1B8E;
	s24 =	sld [smem:$0x3FFE];
	[sflag:s23] =	ssyncadd.s32 $0xFFFFFFFF  }
0xa5: {  	s26 =	simm.s32 $execute0_lowered;
	[smem:$0x3FD2] =	sst s25  }
0xa6: {  	s4 =	sshll.u32 s26, $0x1;
	_ =	strace $0x80000046;
	[dreg:$0x1] =	wrdreg $0xFFFFFFFF  }
0xa7: {  	s28 =	simm.s32 $_size_execute0_lowered;
	s2 =	sadd.s32 s2, s4;
	[dreg:$0x0] =	wrdreg $0x0  }
0xa8: {  	s4 =	sshll.u32 s28, $0x1;
	[dreg:$0x2] =	wrdreg s2  }
0xa9: {  	[dreg:$0x3] =	wrdreg s4  }
0xaa: {  	[dreg:$0x4] =	wrdreg $0xC0  }
0xab: {  	_ =	task [dreg:s6], $0x5FFFF  }
0xac: {  	[dreg:$0x1] =	wrdreg $0xFFFFFFFF  }
0xad: {  	[dreg:$0x0] =	wrdreg $0x60  }
0xae: {  	[dreg:$0x2] =	wrdreg s24  }
0xaf: {  	[dreg:$0x3] =	wrdreg $0x9  }
0xb0: {  	_ =	task.clear_ibuf [dreg:s6], $0x4FFFF;
	_ =	strace $0x90000046  }
0xb1: {  	s29 =	simm.s32 $0x9;
	_ =	strace $0x80000048  }
0xb2: {  	_ =	swait.ge [sflag:s29], $0x1  }
0xb3: {  	[sflag:s29] =	ssyncadd.s32 $0xFFFFFFFF  }
0xb4: {  	_ =	strace $0x90000048  }
0xb5: {  	_ =	sfence  }
0xb6: {  	s30 =	sld [smem:$0x0];
	_ =	sdelay $0x2  }
0xb7: {  	s31 =	sshll.u32 s1, $0xD;
	s1 =	sshrl.u32 s1, $0x2  }
0xb8: {  	s3 =	sand.u32 $0x4000, s31;
	s1 =	sadd.s32 s1, s30  }
0xb9: {  	s0 =	sor.u32 s3, s0;
	s1 =	sshll.u32 s1, $0x11  }
0xba: {  	s0 =	sor.u32 s1, s0  }
0xbb: {  	s0 =	sadd.s32 $0x8F2B, s0  }
0xbc: {  	[sflag:s0] =	ssyncadd.remote.s32 $0x1  }
0xbd: {  	_ =	sfence.sel $0xFFFF  }
0xbe: {  	[dreg:$0x0] =	wrdreg $0xFFFFFFFF;
	(pc) =	sbr.abs _section_cstart, $3  }
0xbf: {  	[dreg:$0x1] =	wrdreg $0xFFFFFFFF  }
0xc0: {  	_ =	task.clear_ibuf [dreg:s6], $0x2FFFF;
	_ =	strace $0x9FFFFFFF  }
0xc1: {  	(tm) =	ssettm $0x7FFFFFFF  }
tec
execute0_lowered:
.L_overlay_start_1:
0x0: {  	(tag) =	ssettag $0x1  }
0x1: {  	s1 =	srdreg.scid  }
0x2: {  	s0 =	stileid.u32;
	s6 =	sand.u32 $0x1, s1  }
0x3: {  	s8 =	rddreg [dreg:$0x0];
	s30 =	sshll.u32 s0, $0xA;
	s2 =	sshll.u32 s6, $0x9  }
0x4: {  	s7 =	simm.s32 $0x1;
	s1 =	rddreg [dreg:$0x1];
	s9 =	sor.u32 s2, s30  }
0x5: {  	s5 =	sadd.s32 $0xF42E00, s8;
	s2 =	simm.s32 $0x0;
	s3 =	sshrl.u32 s9, $0x3  }
0x6: {  	s10 =	ssub.s32 $0x2, s6;
	[smem:$0x7FF] =	sst s2;
	s3 =	sadd.s32 s3, s8  }
0x7: {  	_ =	strace $0x80000047;
	s4 =	sadd.s32 $0xA00, s3;
	s3 =	simm.s32 $0x2  }
0x8: {  	[tilespmem:s2], [sflag:$0x2] =	stream.linear.gather [hbm4b:s4+s2], $0x200, $0x38;
	[tilespmem:$0x10200] =	vst v63  }
0x9: {  	s6 =	simm.s32 $0x200;
	s11 =	sshrl.u32 s10, $0x1;
	_ =	swait.ge [sflag:s3], $0x200  }
0xa: {  	s9 =	sshll.u32 s9, $0x4;
	s31 =	ssub.s32 s10, s11;
	[sflag:s3] =	ssyncset.done $0x0  }
0xb: {  	s8 =	sadd.s32 s9, s8;
	s9 =	smax.u32 s31, $0x1;
	[sflag:s3] =	ssyncadd.s32 $0xFFFFFE00  }
0xc: {  	[tilespmem:s6], [sflag:$0x1] =	stream.indirect.gather [hbm4b:s5+s6], $0x80, s2, s6, $0xb8;
	[tilespmem:$0x10200] =	vst v63  }
0xd: {  	p0 =	sne.s32 s9, $0x1;
	_ =	swait.ge [sflag:s7], $0x10000  }
.Ltmp0:
0xe: {  	[sflag:s7] =	ssyncset.done $0x0;
	(pc) =	sbr.rel @!p0 .LBB2_2-.Ltmp0, $4  }
0xf: {  	s8 =	sadd.s32 $0x1200, s8;
	[sflag:s7] =	ssyncadd.s32 $0xFFFF0000  }
0x10: {  	[hbm4b:s8+s2] =	stream.linear.scatter [tilespmem:s6], [sflag:$0x2], $0x10000, $0x38;
	[tilespmem:$0x10200] =	vst v63  }
0x11: {  	_ =	swait.ge [sflag:s3], $0x10000  }
0x12: {  	s9 =	sadd.s32 $0xFFFFFFFF, s9;
	[sflag:s3] =	ssyncset.done $0x0  }
.LBB2_1:
0x13: {  	p0 =	sne.s32 s9, $0x1;
	s9 =	sadd.s32 $0xFFFFFFFF, s9;
	[sflag:s3] =	ssyncadd.s32 $0xFFFF0000  }
0x14: {  	[tilespmem:s2], [sflag:$0x2] =	stream.linear.gather [hbm4b:s4+s2], $0x200, $0x38;
	[tilespmem:$0x10200] =	vst v63  }
0x15: {  	_ =	swait.ge [sflag:s3], $0x200  }
0x16: {  	[sflag:s3] =	ssyncset.done $0x0  }
0x17: {  	[sflag:s3] =	ssyncadd.s32 $0xFFFFFE00  }
0x18: {  	[tilespmem:s6], [sflag:$0x1] =	stream.indirect.gather [hbm4b:s5+s6], $0x80, s2, s6, $0xb8;
	[tilespmem:$0x10200] =	vst v63  }
0x19: {  	_ =	swait.ge [sflag:s7], $0x10000  }
.Ltmp1:
0x1a: {  	[sflag:s7] =	ssyncset.done $0x0;
	(pc) =	sbr.rel @p0 .LBB2_1-.Ltmp1, $4  }
0x1b: {  	[sflag:s7] =	ssyncadd.s32 $0xFFFF0000  }
0x1c: {  	[hbm4b:s8+s2] =	stream.linear.scatter [tilespmem:s6], [sflag:$0x2], $0x10000, $0x38;
	[tilespmem:$0x10200] =	vst v63  }
0x1d: {  	_ =	swait.ge [sflag:s3], $0x10000  }
0x1e: {  	[sflag:s3] =	ssyncset.done $0x0  }
.LBB2_2:
0x1f: {  	[sflag:s3] =	ssyncadd.s32 $0xFFFF0000  }
0x20: {  	_ =	sfence.sel $0x180000  }
0x21: {  	[bflag:$0x0] =	sbarrier.arrive $0xFFFF  }
0x22: {  	p0 =	sne.s32 s0, $0x0;
	_ =	strace $0x90000047  }
0x23: {  	s0 =	sadd.s32 @!p0 $0x100000, s1;
	[bflag:$0x2] =	sbarrier.arrive $0xFFFF  }
0x24: {  	[sflag:s0] =	ssyncadd.tile.s32 @!p0 $0x1;
	_ =	shalt  }
.Lfunc_end2:
_tile_overlayer_lowered:
.L_overlay_start_2:
0x25: {  	(tag) =	ssettag $0x2  }
0x26: {  	s0 =	rddreg [dreg:$0x0];
	s2 =	stileid.u32  }
0x27: {  	s1 =	rddreg [dreg:$0x1];
	p0 =	sne.s32 s2, $0x0  }
0x28: {  	s3 =	rddreg [dreg:$0x2];
	[bflag:$0x3] =	sbarrier.arrive $0xFFFF;
	s2 =	simm.s32 @!p0 $0x1C02  }
0x29: {  	[timem:s3], [sflag:s2] =	dma.local @!p0 [hbm:s0], s1  }
0x2a: {  	s0 =	simm.s32 @!p0 $0x2  }
0x2b: {  	_ =	swait.ge @!p0 [sflag:s0], s1  }
0x2c: {  	s1 =	ssub.s32 @!p0 $0x0, s1;
	[sflag:s0] =	ssyncset.done @!p0 $0x0  }
0x2d: {  	[sflag:s0] =	ssyncadd.s32 @!p0 s1  }
0x2e: {  	[bflag:$0x3] =	sbarrier.arrive $0xFFFF  }
0x2f: {  	_ =	shalt  }

</sc_bundles>
